<compile_context>
chip_gen: v7x
topology: tpu7x:2x2x1
jax: 0.10.2.dev20260603
libtpu: 0.0.44.dev20260713+nightly
codegen_flags: <defaults>
</compile_context>

<pallas_src>
import functools

import jax
import jax.numpy as jnp
from jax import lax
from jax.experimental import pallas as pl
from jax.experimental.pallas import tpu as pltpu
from jax.experimental.pallas import tpu_sc as plsc

NC = 2
NS = 16
L = 16
NW = NC * NS
BATCH = 4096
DIM = 128
BPW = BATCH // NW
CH = 64
NCH = BPW // CH

_MESH = plsc.VectorSubcoreMesh(
    core_axis_name="c", subcore_axis_name="s", num_cores=NC)


@functools.partial(
    pl.kernel,
    out_type=jax.ShapeDtypeStruct((NW // 4, 4 * L), jnp.float32),
    mesh=_MESH,
    scratch_types=[
        pltpu.VMEM((BPW,), jnp.int32),
        pltpu.VMEM((BPW, DIM), jnp.float32),
        pltpu.VMEM((BPW, DIM), jnp.float32),
        pltpu.VMEM((L,), jnp.float32),
    ]
    + [pltpu.SemaphoreType.DMA] * (2 * NCH),
)
def _center_loss_partials(inp_hbm, tgt_hbm, cen_hbm, out_hbm,
                          idx_v, rows_v, in_v, acc_v, *sems):
    in_sems, g_sems = sems[:NCH], sems[NCH:]
    wid = lax.axis_index("s") * NC + lax.axis_index("c")
    base = wid * BPW

    in_copies = [
        pltpu.async_copy(
            inp_hbm.at[pl.ds(base + k * CH, CH), :],
            in_v.at[pl.ds(k * CH, CH)], in_sems[k])
        for k in range(NCH)
    ]
    pltpu.sync_copy(tgt_hbm.at[pl.ds(base, BPW)], idx_v)
    copies = []
    for k in range(NCH):
        r = pl.ds(k * CH, CH)
        g = pltpu.async_copy(
            cen_hbm.at[idx_v.at[r]], rows_v.at[r], g_sems[k])
        copies.append((g, in_copies[k]))

    def chunk_rows(k, accs):
        def row_body(i, accs):
            new = []
            for j in range(DIM // L):
                a = in_v[k * CH + i, pl.ds(j * L, L)]
                b = rows_v[k * CH + i, pl.ds(j * L, L)]
                d = a - b
                new.append(accs[j] + d * d)
            return tuple(new)
        return lax.fori_loop(0, CH, row_body, accs)

    accs = tuple(jnp.zeros((L,), jnp.float32) for _ in range(DIM // L))
    for k in range(NCH):
        copies[k][0].wait()
        copies[k][1].wait()
        accs = chunk_rows(k, accs)

    a01, a23 = accs[0] + accs[1], accs[2] + accs[3]
    a45, a67 = accs[4] + accs[5], accs[6] + accs[7]
    acc_v[...] = (a01 + a23) + (a45 + a67)
    pltpu.sync_copy(acc_v, out_hbm.at[wid // 4, pl.ds((wid % 4) * L, L)])


@jax.jit
def kernel(input, target, centers):
    partials = _center_loss_partials(input, target.astype(jnp.int32), centers)
    return jnp.sum(partials) / (2.0 * BATCH)

# --- scband reference (transcript-rebuilt; emitter-appended) ---
"""Pipeline reference for scband-center-loss-23922967839358 (READ-ONLY COPY).

The authoritative reference and input builder live on the scoring server;
editing this copy changes nothing except your own understanding.
"""

import jax, jax.numpy as jnp
import numpy as np

EMBEDDING_DIM = 128
NUM_CLASSES = 100000

def setup_inputs(seed: int = 0) -> dict:
    key = jax.random.key(seed)
    k1, k2, k3 = jax.random.split(key, 3)
    inp = jax.random.normal(k1, (4096, EMBEDDING_DIM), dtype=jnp.float32)
    target = jax.random.randint(k2, (4096,), 0, NUM_CLASSES, dtype=jnp.int64)
    centers = jax.random.normal(k3, (NUM_CLASSES, EMBEDDING_DIM), dtype=jnp.float32)
    return {"input": inp, "target": target, "centers": centers}

def reference(input, target, centers):
    # centers.index_select(0, target)
    centers_batch = jnp.take(centers, target, axis=0)
    diff = input - centers_batch
    loss = jnp.sum(diff * diff, axis=1) / 2.0
    return jnp.mean(loss)

if __name__ == "__main__":
    import jax
    _d = setup_inputs()
    print(jax.jit(kernel)(*tuple(_d.values())))

</pallas_src>

<mosaic_0001>
#map = affine_map<(d0, d1) -> (0, 0)>
#map1 = affine_map<(d0, d1) -> (0)>
module attributes {stable_mosaic.version = 14 : i64} {
  func.func @_center_loss_partials(%arg0: i32, %arg1: i32, %arg2: memref<4096x128xf32, #tpu.memory_space<hbm>>, %arg3: memref<4096xi32, #tpu.memory_space<hbm>>, %arg4: memref<100000x128xf32, #tpu.memory_space<hbm>>, %arg5: memref<8x64xf32, #tpu.memory_space<hbm>>, %arg6: memref<128xi32, #tpu.memory_space<vmem>>, %arg7: memref<128x128xf32, #tpu.memory_space<vmem>>, %arg8: memref<128x128xf32, #tpu.memory_space<vmem>>, %arg9: memref<16xf32, #tpu.memory_space<vmem>>, %arg10: memref<!tpu.dma_semaphore, #tpu.memory_space<semaphore_mem>>, %arg11: memref<!tpu.dma_semaphore, #tpu.memory_space<semaphore_mem>>, %arg12: memref<!tpu.dma_semaphore, #tpu.memory_space<semaphore_mem>>, %arg13: memref<!tpu.dma_semaphore, #tpu.memory_space<semaphore_mem>>) attributes {dimension_semantics = [#tpu.dimension_semantics<core_parallel>, #tpu.dimension_semantics<subcore_parallel>], iteration_bounds = array<i64: 2, 16>, scalar_prefetch = 0 : i64, scratch_operands = 8 : i64, tpu.core_type = #tpu.core_type<sc_vector_subcore>, window_params = [{transform_indices = #map}, {transform_indices = #map1}, {transform_indices = #map}, {transform_indices = #map}]} {
    %mul3A = arith.constant 2 : i32
    %mul3A_0 = arith.muli %arg1, %mul3A : i32
    %add3A = arith.addi %mul3A_0, %arg0 : i32
    %mul3A_1 = arith.constant 128 : i32
    %mul3A_2 = arith.muli %add3A, %mul3A_1 : i32
    %add3A_3 = arith.constant 0 : i32
    %add3A_4 = arith.addi %mul3A_2, %add3A_3 : i32
    %dma_start3A = arith.constant 0 : i32
    %dma_start3A_5 = arith.constant 0 : i32
    %dma_start3A_6 = tpu.memref_slice %arg8[%dma_start3A, %dma_start3A_5] : memref<128x128xf32, #tpu.memory_space<vmem>> -> memref<64x128xf32, #tpu.memory_space<vmem>>
    %dma_start3A_7 = arith.constant 0 : i32
    %dma_start3A_8 = tpu.memref_slice %arg2[%add3A_4, %dma_start3A_7] : memref<4096x128xf32, #tpu.memory_space<hbm>> -> memref<64x128xf32, #tpu.memory_space<hbm>>
    %dma_start3A_9 = arith.constant 0 : i32
    %dma_start3A_10 = arith.constant 0 : i32
    %dma_start3A_11 = tpu.memref_slice %arg8[%dma_start3A_9, %dma_start3A_10] : memref<128x128xf32, #tpu.memory_space<vmem>> -> memref<64x128xf32, #tpu.memory_space<vmem>>
    %dma_start3A_12 = arith.constant 0 : i32
    %dma_start3A_13 = tpu.memref_slice %arg2[%add3A_4, %dma_start3A_12] : memref<4096x128xf32, #tpu.memory_space<hbm>> -> memref<64x128xf32, #tpu.memory_space<hbm>>
    tpu.enqueue_dma source(%dma_start3A_13 : memref<64x128xf32, #tpu.memory_space<hbm>>) target(%dma_start3A_11 : memref<64x128xf32, #tpu.memory_space<vmem>>) target_semaphore(%arg10 : memref<!tpu.dma_semaphore, #tpu.memory_space<semaphore_mem>>)
    %add3A_14 = arith.constant 64 : i32
    %add3A_15 = arith.addi %mul3A_2, %add3A_14 : i32
    %dma_start3A_16 = arith.constant 64 : i32
    %dma_start3A_17 = arith.constant 0 : i32
    %dma_start3A_18 = tpu.memref_slice %arg8[%dma_start3A_16, %dma_start3A_17] : memref<128x128xf32, #tpu.memory_space<vmem>> -> memref<64x128xf32, #tpu.memory_space<vmem>>
    %dma_start3A_19 = arith.constant 0 : i32
    %dma_start3A_20 = tpu.memref_slice %arg2[%add3A_15, %dma_start3A_19] : memref<4096x128xf32, #tpu.memory_space<hbm>> -> memref<64x128xf32, #tpu.memory_space<hbm>>
    %dma_start3A_21 = arith.constant 64 : i32
    %dma_start3A_22 = arith.constant 0 : i32
    %dma_start3A_23 = tpu.memref_slice %arg8[%dma_start3A_21, %dma_start3A_22] : memref<128x128xf32, #tpu.memory_space<vmem>> -> memref<64x128xf32, #tpu.memory_space<vmem>>
    %dma_start3A_24 = arith.constant 0 : i32
    %dma_start3A_25 = tpu.memref_slice %arg2[%add3A_15, %dma_start3A_24] : memref<4096x128xf32, #tpu.memory_space<hbm>> -> memref<64x128xf32, #tpu.memory_space<hbm>>
    tpu.enqueue_dma source(%dma_start3A_25 : memref<64x128xf32, #tpu.memory_space<hbm>>) target(%dma_start3A_23 : memref<64x128xf32, #tpu.memory_space<vmem>>) target_semaphore(%arg11 : memref<!tpu.dma_semaphore, #tpu.memory_space<semaphore_mem>>)
    "tpu.region"() ({
      %run_scoped3A = tpu.sem_alloc : memref<!tpu.dma_semaphore, #tpu.memory_space<semaphore_mem>>
      %dma_start3A_145 = tpu.memref_slice %arg3[%mul3A_2] : memref<4096xi32, #tpu.memory_space<hbm>> -> memref<128xi32, #tpu.memory_space<hbm>>
      %dma_start3A_146 = tpu.memref_slice %arg3[%mul3A_2] : memref<4096xi32, #tpu.memory_space<hbm>> -> memref<128xi32, #tpu.memory_space<hbm>>
      tpu.enqueue_dma source(%dma_start3A_146 : memref<128xi32, #tpu.memory_space<hbm>>) target(%arg6 : memref<128xi32, #tpu.memory_space<vmem>>) target_semaphore(%run_scoped3A : memref<!tpu.dma_semaphore, #tpu.memory_space<semaphore_mem>>)
      %dma_wait3A_147 = tpu.memref_slice %arg3[%mul3A_2] : memref<4096xi32, #tpu.memory_space<hbm>> -> memref<128xi32, #tpu.memory_space<hbm>>
      %dma_wait3A_148 = tpu.memref_slice %arg3[%mul3A_2] : memref<4096xi32, #tpu.memory_space<hbm>> -> memref<128xi32, #tpu.memory_space<hbm>>
      tpu.wait_dma2 semaphore(%run_scoped3A : memref<!tpu.dma_semaphore, #tpu.memory_space<semaphore_mem>>) src(%dma_wait3A_148 : memref<128xi32, #tpu.memory_space<hbm>>) dst(%arg6 : memref<128xi32, #tpu.memory_space<vmem>>)
      tpu.yield
    }) : () -> ()
    %dma_start3A_26 = arith.constant 0 : i32
    %dma_start3A_27 = arith.constant 0 : i32
    %dma_start3A_28 = tpu.memref_slice %arg7[%dma_start3A_26, %dma_start3A_27] : memref<128x128xf32, #tpu.memory_space<vmem>> -> memref<64x128xf32, #tpu.memory_space<vmem>>
    %dma_start3A_29 = arith.constant 0 : i32
    %dma_start3A_30 = tpu.memref_slice %arg6[%dma_start3A_29] : memref<128xi32, #tpu.memory_space<vmem>> -> memref<64xi32, #tpu.memory_space<vmem>>
    %dma_start3A_31 = arith.constant 0 : i32
    %dma_start3A_32 = arith.constant 0 : i32
    %dma_start3A_33 = tpu.memref_slice %arg4[%dma_start3A_31, %dma_start3A_32] : memref<100000x128xf32, #tpu.memory_space<hbm>> -> memref<100000x128xf32, #tpu.memory_space<hbm>>
    tpu.enqueue_indirect_dma source(%dma_start3A_33 : memref<100000x128xf32, #tpu.memory_space<hbm>>) target(%dma_start3A_28 : memref<64x128xf32, #tpu.memory_space<vmem>>) offsets(%dma_start3A_30 : memref<64xi32, #tpu.memory_space<vmem>>) semaphore(%arg12 : memref<!tpu.dma_semaphore, #tpu.memory_space<semaphore_mem>>)
    %dma_start3A_34 = arith.constant 64 : i32
    %dma_start3A_35 = arith.constant 0 : i32
    %dma_start3A_36 = tpu.memref_slice %arg7[%dma_start3A_34, %dma_start3A_35] : memref<128x128xf32, #tpu.memory_space<vmem>> -> memref<64x128xf32, #tpu.memory_space<vmem>>
    %dma_start3A_37 = arith.constant 64 : i32
    %dma_start3A_38 = tpu.memref_slice %arg6[%dma_start3A_37] : memref<128xi32, #tpu.memory_space<vmem>> -> memref<64xi32, #tpu.memory_space<vmem>>
    %dma_start3A_39 = arith.constant 0 : i32
    %dma_start3A_40 = arith.constant 0 : i32
    %dma_start3A_41 = tpu.memref_slice %arg4[%dma_start3A_39, %dma_start3A_40] : memref<100000x128xf32, #tpu.memory_space<hbm>> -> memref<100000x128xf32, #tpu.memory_space<hbm>>
    tpu.enqueue_indirect_dma source(%dma_start3A_41 : memref<100000x128xf32, #tpu.memory_space<hbm>>) target(%dma_start3A_36 : memref<64x128xf32, #tpu.memory_space<vmem>>) offsets(%dma_start3A_38 : memref<64xi32, #tpu.memory_space<vmem>>) semaphore(%arg13 : memref<!tpu.dma_semaphore, #tpu.memory_space<semaphore_mem>>)
    %broadcast_in_dim3A = arith.constant 0.000000e+00 : f32
    %broadcast_in_dim3A_42 = vector.broadcast %broadcast_in_dim3A : f32 to vector<16xf32>
    %broadcast_in_dim3A_43 = arith.constant 0.000000e+00 : f32
    %broadcast_in_dim3A_44 = vector.broadcast %broadcast_in_dim3A_43 : f32 to vector<16xf32>
    %broadcast_in_dim3A_45 = arith.constant 0.000000e+00 : f32
    %broadcast_in_dim3A_46 = vector.broadcast %broadcast_in_dim3A_45 : f32 to vector<16xf32>
    %broadcast_in_dim3A_47 = arith.constant 0.000000e+00 : f32
    %broadcast_in_dim3A_48 = vector.broadcast %broadcast_in_dim3A_47 : f32 to vector<16xf32>
    %broadcast_in_dim3A_49 = arith.constant 0.000000e+00 : f32
    %broadcast_in_dim3A_50 = vector.broadcast %broadcast_in_dim3A_49 : f32 to vector<16xf32>
    %broadcast_in_dim3A_51 = arith.constant 0.000000e+00 : f32
    %broadcast_in_dim3A_52 = vector.broadcast %broadcast_in_dim3A_51 : f32 to vector<16xf32>
    %broadcast_in_dim3A_53 = arith.constant 0.000000e+00 : f32
    %broadcast_in_dim3A_54 = vector.broadcast %broadcast_in_dim3A_53 : f32 to vector<16xf32>
    %broadcast_in_dim3A_55 = arith.constant 0.000000e+00 : f32
    %broadcast_in_dim3A_56 = vector.broadcast %broadcast_in_dim3A_55 : f32 to vector<16xf32>
    %dma_wait3A = arith.constant 0 : i32
    %dma_wait3A_57 = arith.constant 0 : i32
    %dma_wait3A_58 = tpu.memref_slice %arg7[%dma_wait3A, %dma_wait3A_57] : memref<128x128xf32, #tpu.memory_space<vmem>> -> memref<64x128xf32, #tpu.memory_space<vmem>>
    %dma_wait3A_59 = arith.constant 0 : i32
    %dma_wait3A_60 = tpu.memref_slice %arg6[%dma_wait3A_59] : memref<128xi32, #tpu.memory_space<vmem>> -> memref<64xi32, #tpu.memory_space<vmem>>
    %dma_wait3A_61 = arith.constant 0 : i32
    %dma_wait3A_62 = arith.constant 0 : i32
    %dma_wait3A_63 = tpu.memref_slice %arg4[%dma_wait3A_61, %dma_wait3A_62] : memref<100000x128xf32, #tpu.memory_space<hbm>> -> memref<100000x128xf32, #tpu.memory_space<hbm>>
    tpu.wait_indirect_dma semaphore(%arg12 : memref<!tpu.dma_semaphore, #tpu.memory_space<semaphore_mem>>) src(%dma_wait3A_63 : memref<100000x128xf32, #tpu.memory_space<hbm>>) dst(%dma_wait3A_58 : memref<64x128xf32, #tpu.memory_space<vmem>>)
    %dma_wait3A_64 = arith.constant 0 : i32
    %dma_wait3A_65 = arith.constant 0 : i32
    %dma_wait3A_66 = tpu.memref_slice %arg8[%dma_wait3A_64, %dma_wait3A_65] : memref<128x128xf32, #tpu.memory_space<vmem>> -> memref<64x128xf32, #tpu.memory_space<vmem>>
    %dma_wait3A_67 = arith.constant 0 : i32
    %dma_wait3A_68 = tpu.memref_slice %arg2[%add3A_4, %dma_wait3A_67] : memref<4096x128xf32, #tpu.memory_space<hbm>> -> memref<64x128xf32, #tpu.memory_space<hbm>>
    %dma_wait3A_69 = arith.constant 0 : i32
    %dma_wait3A_70 = arith.constant 0 : i32
    %dma_wait3A_71 = tpu.memref_slice %arg8[%dma_wait3A_69, %dma_wait3A_70] : memref<128x128xf32, #tpu.memory_space<vmem>> -> memref<64x128xf32, #tpu.memory_space<vmem>>
    %dma_wait3A_72 = arith.constant 0 : i32
    %dma_wait3A_73 = tpu.memref_slice %arg2[%add3A_4, %dma_wait3A_72] : memref<4096x128xf32, #tpu.memory_space<hbm>> -> memref<64x128xf32, #tpu.memory_space<hbm>>
    tpu.wait_dma2 semaphore(%arg10 : memref<!tpu.dma_semaphore, #tpu.memory_space<semaphore_mem>>) src(%dma_wait3A_73 : memref<64x128xf32, #tpu.memory_space<hbm>>) dst(%dma_wait3A_71 : memref<64x128xf32, #tpu.memory_space<vmem>>)
    %scan3A = arith.constant 0 : i32
    %scan3A_74 = arith.constant 64 : i32
    %scan3A_75 = arith.addi %scan3A, %scan3A_74 : i32
    %scan3A_76 = arith.constant 1 : i32
    %scan3A_77:8 = scf.for %scan3A_145 = %scan3A to %scan3A_75 step %scan3A_76 iter_args(%scan3A_146 = %broadcast_in_dim3A_42, %scan3A_147 = %broadcast_in_dim3A_44, %scan3A_148 = %broadcast_in_dim3A_46, %scan3A_149 = %broadcast_in_dim3A_48, %scan3A_150 = %broadcast_in_dim3A_50, %scan3A_151 = %broadcast_in_dim3A_52, %scan3A_152 = %broadcast_in_dim3A_54, %scan3A_153 = %broadcast_in_dim3A_56) -> (vector<16xf32>, vector<16xf32>, vector<16xf32>, vector<16xf32>, vector<16xf32>, vector<16xf32>, vector<16xf32>, vector<16xf32>)  : i32 {
      %add3A_154 = arith.constant 0 : i32
      %add3A_155 = arith.addi %add3A_154, %scan3A_145 : i32
      %get3A = arith.index_cast %add3A_155 : i32 to index
      %get3A_156 = arith.constant 0 : index
      %get3A_157 = tpu.vector_load %arg8[%get3A, %get3A_156] {strides = array<i32>} : memref<128x128xf32, #tpu.memory_space<vmem>>, vector<1x16xf32>,
      %get3A_158 = vector.shape_cast %get3A_157 : vector<1x16xf32> to vector<16xf32>
      %add3A_159 = arith.constant 0 : i32
      %add3A_160 = arith.addi %add3A_159, %scan3A_145 : i32
      %get3A_161 = arith.index_cast %add3A_160 : i32 to index
      %get3A_162 = arith.constant 0 : index
      %get3A_163 = tpu.vector_load %arg7[%get3A_161, %get3A_162] {strides = array<i32>} : memref<128x128xf32, #tpu.memory_space<vmem>>, vector<1x16xf32>,
      %get3A_164 = vector.shape_cast %get3A_163 : vector<1x16xf32> to vector<16xf32>
      %sub3A_165 = arith.subf %get3A_158, %get3A_164 : vector<16xf32>
      %mul3A_166 = arith.mulf %sub3A_165, %sub3A_165 : vector<16xf32>
      %add3A_167 = arith.addf %scan3A_146, %mul3A_166 : vector<16xf32>
      %add3A_168 = arith.constant 0 : i32
      %add3A_169 = arith.addi %add3A_168, %scan3A_145 : i32
      %get3A_170 = arith.index_cast %add3A_169 : i32 to index
      %get3A_171 = arith.constant 16 : index
      %get3A_172 = tpu.vector_load %arg8[%get3A_170, %get3A_171] {strides = array<i32>} : memref<128x128xf32, #tpu.memory_space<vmem>>, vector<1x16xf32>,
      %get3A_173 = vector.shape_cast %get3A_172 : vector<1x16xf32> to vector<16xf32>
      %add3A_174 = arith.constant 0 : i32
      %add3A_175 = arith.addi %add3A_174, %scan3A_145 : i32
      %get3A_176 = arith.index_cast %add3A_175 : i32 to index
      %get3A_177 = arith.constant 16 : index
      %get3A_178 = tpu.vector_load %arg7[%get3A_176, %get3A_177] {strides = array<i32>} : memref<128x128xf32, #tpu.memory_space<vmem>>, vector<1x16xf32>,
      %get3A_179 = vector.shape_cast %get3A_178 : vector<1x16xf32> to vector<16xf32>
      %sub3A_180 = arith.subf %get3A_173, %get3A_179 : vector<16xf32>
      %mul3A_181 = arith.mulf %sub3A_180, %sub3A_180 : vector<16xf32>
      %add3A_182 = arith.addf %scan3A_147, %mul3A_181 : vector<16xf32>
      %add3A_183 = arith.constant 0 : i32
      %add3A_184 = arith.addi %add3A_183, %scan3A_145 : i32
      %get3A_185 = arith.index_cast %add3A_184 : i32 to index
      %get3A_186 = arith.constant 32 : index
      %get3A_187 = tpu.vector_load %arg8[%get3A_185, %get3A_186] {strides = array<i32>} : memref<128x128xf32, #tpu.memory_space<vmem>>, vector<1x16xf32>,
      %get3A_188 = vector.shape_cast %get3A_187 : vector<1x16xf32> to vector<16xf32>
      %add3A_189 = arith.constant 0 : i32
      %add3A_190 = arith.addi %add3A_189, %scan3A_145 : i32
      %get3A_191 = arith.index_cast %add3A_190 : i32 to index
      %get3A_192 = arith.constant 32 : index
      %get3A_193 = tpu.vector_load %arg7[%get3A_191, %get3A_192] {strides = array<i32>} : memref<128x128xf32, #tpu.memory_space<vmem>>, vector<1x16xf32>,
      %get3A_194 = vector.shape_cast %get3A_193 : vector<1x16xf32> to vector<16xf32>
      %sub3A_195 = arith.subf %get3A_188, %get3A_194 : vector<16xf32>
      %mul3A_196 = arith.mulf %sub3A_195, %sub3A_195 : vector<16xf32>
      %add3A_197 = arith.addf %scan3A_148, %mul3A_196 : vector<16xf32>
      %add3A_198 = arith.constant 0 : i32
      %add3A_199 = arith.addi %add3A_198, %scan3A_145 : i32
      %get3A_200 = arith.index_cast %add3A_199 : i32 to index
      %get3A_201 = arith.constant 48 : index
      %get3A_202 = tpu.vector_load %arg8[%get3A_200, %get3A_201] {strides = array<i32>} : memref<128x128xf32, #tpu.memory_space<vmem>>, vector<1x16xf32>,
      %get3A_203 = vector.shape_cast %get3A_202 : vector<1x16xf32> to vector<16xf32>
      %add3A_204 = arith.constant 0 : i32
      %add3A_205 = arith.addi %add3A_204, %scan3A_145 : i32
      %get3A_206 = arith.index_cast %add3A_205 : i32 to index
      %get3A_207 = arith.constant 48 : index
      %get3A_208 = tpu.vector_load %arg7[%get3A_206, %get3A_207] {strides = array<i32>} : memref<128x128xf32, #tpu.memory_space<vmem>>, vector<1x16xf32>,
      %get3A_209 = vector.shape_cast %get3A_208 : vector<1x16xf32> to vector<16xf32>
      %sub3A_210 = arith.subf %get3A_203, %get3A_209 : vector<16xf32>
      %mul3A_211 = arith.mulf %sub3A_210, %sub3A_210 : vector<16xf32>
      %add3A_212 = arith.addf %scan3A_149, %mul3A_211 : vector<16xf32>
      %add3A_213 = arith.constant 0 : i32
      %add3A_214 = arith.addi %add3A_213, %scan3A_145 : i32
      %get3A_215 = arith.index_cast %add3A_214 : i32 to index
      %get3A_216 = arith.constant 64 : index
      %get3A_217 = tpu.vector_load %arg8[%get3A_215, %get3A_216] {strides = array<i32>} : memref<128x128xf32, #tpu.memory_space<vmem>>, vector<1x16xf32>,
      %get3A_218 = vector.shape_cast %get3A_217 : vector<1x16xf32> to vector<16xf32>
      %add3A_219 = arith.constant 0 : i32
      %add3A_220 = arith.addi %add3A_219, %scan3A_145 : i32
      %get3A_221 = arith.index_cast %add3A_220 : i32 to index
      %get3A_222 = arith.constant 64 : index
      %get3A_223 = tpu.vector_load %arg7[%get3A_221, %get3A_222] {strides = array<i32>} : memref<128x128xf32, #tpu.memory_space<vmem>>, vector<1x16xf32>,
      %get3A_224 = vector.shape_cast %get3A_223 : vector<1x16xf32> to vector<16xf32>
      %sub3A_225 = arith.subf %get3A_218, %get3A_224 : vector<16xf32>
      %mul3A_226 = arith.mulf %sub3A_225, %sub3A_225 : vector<16xf32>
      %add3A_227 = arith.addf %scan3A_150, %mul3A_226 : vector<16xf32>
      %add3A_228 = arith.constant 0 : i32
      %add3A_229 = arith.addi %add3A_228, %scan3A_145 : i32
      %get3A_230 = arith.index_cast %add3A_229 : i32 to index
      %get3A_231 = arith.constant 80 : index
      %get3A_232 = tpu.vector_load %arg8[%get3A_230, %get3A_231] {strides = array<i32>} : memref<128x128xf32, #tpu.memory_space<vmem>>, vector<1x16xf32>,
      %get3A_233 = vector.shape_cast %get3A_232 : vector<1x16xf32> to vector<16xf32>
      %add3A_234 = arith.constant 0 : i32
      %add3A_235 = arith.addi %add3A_234, %scan3A_145 : i32
      %get3A_236 = arith.index_cast %add3A_235 : i32 to index
      %get3A_237 = arith.constant 80 : index
      %get3A_238 = tpu.vector_load %arg7[%get3A_236, %get3A_237] {strides = array<i32>} : memref<128x128xf32, #tpu.memory_space<vmem>>, vector<1x16xf32>,
      %get3A_239 = vector.shape_cast %get3A_238 : vector<1x16xf32> to vector<16xf32>
      %sub3A_240 = arith.subf %get3A_233, %get3A_239 : vector<16xf32>
      %mul3A_241 = arith.mulf %sub3A_240, %sub3A_240 : vector<16xf32>
      %add3A_242 = arith.addf %scan3A_151, %mul3A_241 : vector<16xf32>
      %add3A_243 = arith.constant 0 : i32
      %add3A_244 = arith.addi %add3A_243, %scan3A_145 : i32
      %get3A_245 = arith.index_cast %add3A_244 : i32 to index
      %get3A_246 = arith.constant 96 : index
      %get3A_247 = tpu.vector_load %arg8[%get3A_245, %get3A_246] {strides = array<i32>} : memref<128x128xf32, #tpu.memory_space<vmem>>, vector<1x16xf32>,
      %get3A_248 = vector.shape_cast %get3A_247 : vector<1x16xf32> to vector<16xf32>
      %add3A_249 = arith.constant 0 : i32
      %add3A_250 = arith.addi %add3A_249, %scan3A_145 : i32
      %get3A_251 = arith.index_cast %add3A_250 : i32 to index
      %get3A_252 = arith.constant 96 : index
      %get3A_253 = tpu.vector_load %arg7[%get3A_251, %get3A_252] {strides = array<i32>} : memref<128x128xf32, #tpu.memory_space<vmem>>, vector<1x16xf32>,
      %get3A_254 = vector.shape_cast %get3A_253 : vector<1x16xf32> to vector<16xf32>
      %sub3A_255 = arith.subf %get3A_248, %get3A_254 : vector<16xf32>
      %mul3A_256 = arith.mulf %sub3A_255, %sub3A_255 : vector<16xf32>
      %add3A_257 = arith.addf %scan3A_152, %mul3A_256 : vector<16xf32>
      %add3A_258 = arith.constant 0 : i32
      %add3A_259 = arith.addi %add3A_258, %scan3A_145 : i32
      %get3A_260 = arith.index_cast %add3A_259 : i32 to index
      %get3A_261 = arith.constant 112 : index
      %get3A_262 = tpu.vector_load %arg8[%get3A_260, %get3A_261] {strides = array<i32>} : memref<128x128xf32, #tpu.memory_space<vmem>>, vector<1x16xf32>,
      %get3A_263 = vector.shape_cast %get3A_262 : vector<1x16xf32> to vector<16xf32>
      %add3A_264 = arith.constant 0 : i32
      %add3A_265 = arith.addi %add3A_264, %scan3A_145 : i32
      %get3A_266 = arith.index_cast %add3A_265 : i32 to index
      %get3A_267 = arith.constant 112 : index
      %get3A_268 = tpu.vector_load %arg7[%get3A_266, %get3A_267] {strides = array<i32>} : memref<128x128xf32, #tpu.memory_space<vmem>>, vector<1x16xf32>,
      %get3A_269 = vector.shape_cast %get3A_268 : vector<1x16xf32> to vector<16xf32>
      %sub3A_270 = arith.subf %get3A_263, %get3A_269 : vector<16xf32>
      %mul3A_271 = arith.mulf %sub3A_270, %sub3A_270 : vector<16xf32>
      %add3A_272 = arith.addf %scan3A_153, %mul3A_271 : vector<16xf32>
      scf.yield %add3A_167, %add3A_182, %add3A_197, %add3A_212, %add3A_227, %add3A_242, %add3A_257, %add3A_272 : vector<16xf32>, vector<16xf32>, vector<16xf32>, vector<16xf32>, vector<16xf32>, vector<16xf32>, vector<16xf32>, vector<16xf32>
    }
    %scan3A_78 = arith.constant 64 : i32
    %dma_wait3A_79 = arith.constant 64 : i32
    %dma_wait3A_80 = arith.constant 0 : i32
    %dma_wait3A_81 = tpu.memref_slice %arg7[%dma_wait3A_79, %dma_wait3A_80] : memref<128x128xf32, #tpu.memory_space<vmem>> -> memref<64x128xf32, #tpu.memory_space<vmem>>
    %dma_wait3A_82 = arith.constant 64 : i32
    %dma_wait3A_83 = tpu.memref_slice %arg6[%dma_wait3A_82] : memref<128xi32, #tpu.memory_space<vmem>> -> memref<64xi32, #tpu.memory_space<vmem>>
    %dma_wait3A_84 = arith.constant 0 : i32
    %dma_wait3A_85 = arith.constant 0 : i32
    %dma_wait3A_86 = tpu.memref_slice %arg4[%dma_wait3A_84, %dma_wait3A_85] : memref<100000x128xf32, #tpu.memory_space<hbm>> -> memref<100000x128xf32, #tpu.memory_space<hbm>>
    tpu.wait_indirect_dma semaphore(%arg13 : memref<!tpu.dma_semaphore, #tpu.memory_space<semaphore_mem>>) src(%dma_wait3A_86 : memref<100000x128xf32, #tpu.memory_space<hbm>>) dst(%dma_wait3A_81 : memref<64x128xf32, #tpu.memory_space<vmem>>)
    %dma_wait3A_87 = arith.constant 64 : i32
    %dma_wait3A_88 = arith.constant 0 : i32
    %dma_wait3A_89 = tpu.memref_slice %arg8[%dma_wait3A_87, %dma_wait3A_88] : memref<128x128xf32, #tpu.memory_space<vmem>> -> memref<64x128xf32, #tpu.memory_space<vmem>>
    %dma_wait3A_90 = arith.constant 0 : i32
    %dma_wait3A_91 = tpu.memref_slice %arg2[%add3A_15, %dma_wait3A_90] : memref<4096x128xf32, #tpu.memory_space<hbm>> -> memref<64x128xf32, #tpu.memory_space<hbm>>
    %dma_wait3A_92 = arith.constant 64 : i32
    %dma_wait3A_93 = arith.constant 0 : i32
    %dma_wait3A_94 = tpu.memref_slice %arg8[%dma_wait3A_92, %dma_wait3A_93] : memref<128x128xf32, #tpu.memory_space<vmem>> -> memref<64x128xf32, #tpu.memory_space<vmem>>
    %dma_wait3A_95 = arith.constant 0 : i32
    %dma_wait3A_96 = tpu.memref_slice %arg2[%add3A_15, %dma_wait3A_95] : memref<4096x128xf32, #tpu.memory_space<hbm>> -> memref<64x128xf32, #tpu.memory_space<hbm>>
    tpu.wait_dma2 semaphore(%arg11 : memref<!tpu.dma_semaphore, #tpu.memory_space<semaphore_mem>>) src(%dma_wait3A_96 : memref<64x128xf32, #tpu.memory_space<hbm>>) dst(%dma_wait3A_94 : memref<64x128xf32, #tpu.memory_space<vmem>>)
    %scan3A_97 = arith.constant 0 : i32
    %scan3A_98 = arith.constant 64 : i32
    %scan3A_99 = arith.addi %scan3A_97, %scan3A_98 : i32
    %scan3A_100 = arith.constant 1 : i32
    %scan3A_101:8 = scf.for %scan3A_145 = %scan3A_97 to %scan3A_99 step %scan3A_100 iter_args(%scan3A_146 = %scan3A_77#0, %scan3A_147 = %scan3A_77#1, %scan3A_148 = %scan3A_77#2, %scan3A_149 = %scan3A_77#3, %scan3A_150 = %scan3A_77#4, %scan3A_151 = %scan3A_77#5, %scan3A_152 = %scan3A_77#6, %scan3A_153 = %scan3A_77#7) -> (vector<16xf32>, vector<16xf32>, vector<16xf32>, vector<16xf32>, vector<16xf32>, vector<16xf32>, vector<16xf32>, vector<16xf32>)  : i32 {
      %add3A_154 = arith.constant 64 : i32
      %add3A_155 = arith.addi %add3A_154, %scan3A_145 : i32
      %get3A = arith.index_cast %add3A_155 : i32 to index
      %get3A_156 = arith.constant 0 : index
      %get3A_157 = tpu.vector_load %arg8[%get3A, %get3A_156] {strides = array<i32>} : memref<128x128xf32, #tpu.memory_space<vmem>>, vector<1x16xf32>,
      %get3A_158 = vector.shape_cast %get3A_157 : vector<1x16xf32> to vector<16xf32>
      %add3A_159 = arith.constant 64 : i32
      %add3A_160 = arith.addi %add3A_159, %scan3A_145 : i32
      %get3A_161 = arith.index_cast %add3A_160 : i32 to index
      %get3A_162 = arith.constant 0 : index
      %get3A_163 = tpu.vector_load %arg7[%get3A_161, %get3A_162] {strides = array<i32>} : memref<128x128xf32, #tpu.memory_space<vmem>>, vector<1x16xf32>,
      %get3A_164 = vector.shape_cast %get3A_163 : vector<1x16xf32> to vector<16xf32>
      %sub3A_165 = arith.subf %get3A_158, %get3A_164 : vector<16xf32>
      %mul3A_166 = arith.mulf %sub3A_165, %sub3A_165 : vector<16xf32>
      %add3A_167 = arith.addf %scan3A_146, %mul3A_166 : vector<16xf32>
      %add3A_168 = arith.constant 64 : i32
      %add3A_169 = arith.addi %add3A_168, %scan3A_145 : i32
      %get3A_170 = arith.index_cast %add3A_169 : i32 to index
      %get3A_171 = arith.constant 16 : index
      %get3A_172 = tpu.vector_load %arg8[%get3A_170, %get3A_171] {strides = array<i32>} : memref<128x128xf32, #tpu.memory_space<vmem>>, vector<1x16xf32>,
      %get3A_173 = vector.shape_cast %get3A_172 : vector<1x16xf32> to vector<16xf32>
      %add3A_174 = arith.constant 64 : i32
      %add3A_175 = arith.addi %add3A_174, %scan3A_145 : i32
      %get3A_176 = arith.index_cast %add3A_175 : i32 to index
      %get3A_177 = arith.constant 16 : index
      %get3A_178 = tpu.vector_load %arg7[%get3A_176, %get3A_177] {strides = array<i32>} : memref<128x128xf32, #tpu.memory_space<vmem>>, vector<1x16xf32>,
      %get3A_179 = vector.shape_cast %get3A_178 : vector<1x16xf32> to vector<16xf32>
      %sub3A_180 = arith.subf %get3A_173, %get3A_179 : vector<16xf32>
      %mul3A_181 = arith.mulf %sub3A_180, %sub3A_180 : vector<16xf32>
      %add3A_182 = arith.addf %scan3A_147, %mul3A_181 : vector<16xf32>
      %add3A_183 = arith.constant 64 : i32
      %add3A_184 = arith.addi %add3A_183, %scan3A_145 : i32
      %get3A_185 = arith.index_cast %add3A_184 : i32 to index
      %get3A_186 = arith.constant 32 : index
      %get3A_187 = tpu.vector_load %arg8[%get3A_185, %get3A_186] {strides = array<i32>} : memref<128x128xf32, #tpu.memory_space<vmem>>, vector<1x16xf32>,
      %get3A_188 = vector.shape_cast %get3A_187 : vector<1x16xf32> to vector<16xf32>
      %add3A_189 = arith.constant 64 : i32
      %add3A_190 = arith.addi %add3A_189, %scan3A_145 : i32
      %get3A_191 = arith.index_cast %add3A_190 : i32 to index
      %get3A_192 = arith.constant 32 : index
      %get3A_193 = tpu.vector_load %arg7[%get3A_191, %get3A_192] {strides = array<i32>} : memref<128x128xf32, #tpu.memory_space<vmem>>, vector<1x16xf32>,
      %get3A_194 = vector.shape_cast %get3A_193 : vector<1x16xf32> to vector<16xf32>
      %sub3A_195 = arith.subf %get3A_188, %get3A_194 : vector<16xf32>
      %mul3A_196 = arith.mulf %sub3A_195, %sub3A_195 : vector<16xf32>
      %add3A_197 = arith.addf %scan3A_148, %mul3A_196 : vector<16xf32>
      %add3A_198 = arith.constant 64 : i32
      %add3A_199 = arith.addi %add3A_198, %scan3A_145 : i32
      %get3A_200 = arith.index_cast %add3A_199 : i32 to index
      %get3A_201 = arith.constant 48 : index
      %get3A_202 = tpu.vector_load %arg8[%get3A_200, %get3A_201] {strides = array<i32>} : memref<128x128xf32, #tpu.memory_space<vmem>>, vector<1x16xf32>,
      %get3A_203 = vector.shape_cast %get3A_202 : vector<1x16xf32> to vector<16xf32>
      %add3A_204 = arith.constant 64 : i32
      %add3A_205 = arith.addi %add3A_204, %scan3A_145 : i32
      %get3A_206 = arith.index_cast %add3A_205 : i32 to index
      %get3A_207 = arith.constant 48 : index
      %get3A_208 = tpu.vector_load %arg7[%get3A_206, %get3A_207] {strides = array<i32>} : memref<128x128xf32, #tpu.memory_space<vmem>>, vector<1x16xf32>,
      %get3A_209 = vector.shape_cast %get3A_208 : vector<1x16xf32> to vector<16xf32>
      %sub3A_210 = arith.subf %get3A_203, %get3A_209 : vector<16xf32>
      %mul3A_211 = arith.mulf %sub3A_210, %sub3A_210 : vector<16xf32>
      %add3A_212 = arith.addf %scan3A_149, %mul3A_211 : vector<16xf32>
      %add3A_213 = arith.constant 64 : i32
      %add3A_214 = arith.addi %add3A_213, %scan3A_145 : i32
      %get3A_215 = arith.index_cast %add3A_214 : i32 to index
      %get3A_216 = arith.constant 64 : index
      %get3A_217 = tpu.vector_load %arg8[%get3A_215, %get3A_216] {strides = array<i32>} : memref<128x128xf32, #tpu.memory_space<vmem>>, vector<1x16xf32>,
      %get3A_218 = vector.shape_cast %get3A_217 : vector<1x16xf32> to vector<16xf32>
      %add3A_219 = arith.constant 64 : i32
      %add3A_220 = arith.addi %add3A_219, %scan3A_145 : i32
      %get3A_221 = arith.index_cast %add3A_220 : i32 to index
      %get3A_222 = arith.constant 64 : index
      %get3A_223 = tpu.vector_load %arg7[%get3A_221, %get3A_222] {strides = array<i32>} : memref<128x128xf32, #tpu.memory_space<vmem>>, vector<1x16xf32>,
      %get3A_224 = vector.shape_cast %get3A_223 : vector<1x16xf32> to vector<16xf32>
      %sub3A_225 = arith.subf %get3A_218, %get3A_224 : vector<16xf32>
      %mul3A_226 = arith.mulf %sub3A_225, %sub3A_225 : vector<16xf32>
      %add3A_227 = arith.addf %scan3A_150, %mul3A_226 : vector<16xf32>
      %add3A_228 = arith.constant 64 : i32
      %add3A_229 = arith.addi %add3A_228, %scan3A_145 : i32
      %get3A_230 = arith.index_cast %add3A_229 : i32 to index
      %get3A_231 = arith.constant 80 : index
      %get3A_232 = tpu.vector_load %arg8[%get3A_230, %get3A_231] {strides = array<i32>} : memref<128x128xf32, #tpu.memory_space<vmem>>, vector<1x16xf32>,
      %get3A_233 = vector.shape_cast %get3A_232 : vector<1x16xf32> to vector<16xf32>
      %add3A_234 = arith.constant 64 : i32
      %add3A_235 = arith.addi %add3A_234, %scan3A_145 : i32
      %get3A_236 = arith.index_cast %add3A_235 : i32 to index
      %get3A_237 = arith.constant 80 : index
      %get3A_238 = tpu.vector_load %arg7[%get3A_236, %get3A_237] {strides = array<i32>} : memref<128x128xf32, #tpu.memory_space<vmem>>, vector<1x16xf32>,
      %get3A_239 = vector.shape_cast %get3A_238 : vector<1x16xf32> to vector<16xf32>
      %sub3A_240 = arith.subf %get3A_233, %get3A_239 : vector<16xf32>
      %mul3A_241 = arith.mulf %sub3A_240, %sub3A_240 : vector<16xf32>
      %add3A_242 = arith.addf %scan3A_151, %mul3A_241 : vector<16xf32>
      %add3A_243 = arith.constant 64 : i32
      %add3A_244 = arith.addi %add3A_243, %scan3A_145 : i32
      %get3A_245 = arith.index_cast %add3A_244 : i32 to index
      %get3A_246 = arith.constant 96 : index
      %get3A_247 = tpu.vector_load %arg8[%get3A_245, %get3A_246] {strides = array<i32>} : memref<128x128xf32, #tpu.memory_space<vmem>>, vector<1x16xf32>,
      %get3A_248 = vector.shape_cast %get3A_247 : vector<1x16xf32> to vector<16xf32>
      %add3A_249 = arith.constant 64 : i32
      %add3A_250 = arith.addi %add3A_249, %scan3A_145 : i32
      %get3A_251 = arith.index_cast %add3A_250 : i32 to index
      %get3A_252 = arith.constant 96 : index
      %get3A_253 = tpu.vector_load %arg7[%get3A_251, %get3A_252] {strides = array<i32>} : memref<128x128xf32, #tpu.memory_space<vmem>>, vector<1x16xf32>,
      %get3A_254 = vector.shape_cast %get3A_253 : vector<1x16xf32> to vector<16xf32>
      %sub3A_255 = arith.subf %get3A_248, %get3A_254 : vector<16xf32>
      %mul3A_256 = arith.mulf %sub3A_255, %sub3A_255 : vector<16xf32>
      %add3A_257 = arith.addf %scan3A_152, %mul3A_256 : vector<16xf32>
      %add3A_258 = arith.constant 64 : i32
      %add3A_259 = arith.addi %add3A_258, %scan3A_145 : i32
      %get3A_260 = arith.index_cast %add3A_259 : i32 to index
      %get3A_261 = arith.constant 112 : index
      %get3A_262 = tpu.vector_load %arg8[%get3A_260, %get3A_261] {strides = array<i32>} : memref<128x128xf32, #tpu.memory_space<vmem>>, vector<1x16xf32>,
      %get3A_263 = vector.shape_cast %get3A_262 : vector<1x16xf32> to vector<16xf32>
      %add3A_264 = arith.constant 64 : i32
      %add3A_265 = arith.addi %add3A_264, %scan3A_145 : i32
      %get3A_266 = arith.index_cast %add3A_265 : i32 to index
      %get3A_267 = arith.constant 112 : index
      %get3A_268 = tpu.vector_load %arg7[%get3A_266, %get3A_267] {strides = array<i32>} : memref<128x128xf32, #tpu.memory_space<vmem>>, vector<1x16xf32>,
      %get3A_269 = vector.shape_cast %get3A_268 : vector<1x16xf32> to vector<16xf32>
      %sub3A_270 = arith.subf %get3A_263, %get3A_269 : vector<16xf32>
      %mul3A_271 = arith.mulf %sub3A_270, %sub3A_270 : vector<16xf32>
      %add3A_272 = arith.addf %scan3A_153, %mul3A_271 : vector<16xf32>
      scf.yield %add3A_167, %add3A_182, %add3A_197, %add3A_212, %add3A_227, %add3A_242, %add3A_257, %add3A_272 : vector<16xf32>, vector<16xf32>, vector<16xf32>, vector<16xf32>, vector<16xf32>, vector<16xf32>, vector<16xf32>, vector<16xf32>
    }
    %scan3A_102 = arith.constant 64 : i32
    %add3A_103 = arith.addf %scan3A_101#0, %scan3A_101#1 : vector<16xf32>
    %add3A_104 = arith.addf %scan3A_101#2, %scan3A_101#3 : vector<16xf32>
    %add3A_105 = arith.addf %scan3A_101#4, %scan3A_101#5 : vector<16xf32>
    %add3A_106 = arith.addf %scan3A_101#6, %scan3A_101#7 : vector<16xf32>
    %add3A_107 = arith.addf %add3A_103, %add3A_104 : vector<16xf32>
    %add3A_108 = arith.addf %add3A_105, %add3A_106 : vector<16xf32>
    %add3A_109 = arith.addf %add3A_107, %add3A_108 : vector<16xf32>
    %swap3A = arith.constant 0 : index
    %swap3A_110 = tpu.vector_load %arg9[%swap3A] {strides = array<i32>} : memref<16xf32, #tpu.memory_space<vmem>>, vector<16xf32>,
    %swap3A_111 = vector.shape_cast %swap3A_110 : vector<16xf32> to vector<16xf32>
    %swap3A_112 = vector.shape_cast %add3A_109 : vector<16xf32> to vector<16xf32>
    tpu.vector_store %arg9[%swap3A], %swap3A_112 {strides = array<i32>} : memref<16xf32, #tpu.memory_space<vmem>>, vector<16xf32>,
    %jit3A = arith.constant 4 : i32
    %div3A = arith.divsi %add3A, %jit3A : i32
    %sign3A = arith.constant 0 : i32
    %sign3A_113 = arith.cmpi sgt, %add3A, %sign3A : i32
    %sign3A_114 = arith.extui %sign3A_113 : i1 to i32
    %sign3A_115 = arith.constant 0 : i32
    %sign3A_116 = arith.cmpi slt, %add3A, %sign3A_115 : i32
    %sign3A_117 = arith.extui %sign3A_116 : i1 to i32
    %sign3A_118 = arith.subi %sign3A_114, %sign3A_117 : i32
    %sign3A_119 = arith.constant 0 : i32
    %sign3A_120 = arith.cmpi sgt, %jit3A, %sign3A_119 : i32
    %sign3A_121 = arith.extui %sign3A_120 : i1 to i32
    %sign3A_122 = arith.constant 0 : i32
    %sign3A_123 = arith.cmpi slt, %jit3A, %sign3A_122 : i32
    %sign3A_124 = arith.extui %sign3A_123 : i1 to i32
    %sign3A_125 = arith.subi %sign3A_121, %sign3A_124 : i32
    %ne3A = arith.cmpi ne, %sign3A_118, %sign3A_125 : i32
    %rem3A = arith.remsi %add3A, %jit3A : i32
    %ne3A_126 = arith.constant 0 : i32
    %ne3A_127 = arith.cmpi ne, %rem3A, %ne3A_126 : i32
    %and3A = arith.andi %ne3A, %ne3A_127 : i1
    %sub3A = arith.constant 1 : i32
    %sub3A_128 = arith.subi %div3A, %sub3A : i32
    %select_n3A = arith.select %and3A, %sub3A_128, %div3A : i32
    %jit3A_129 = arith.constant 4 : i32
    %eq3A = arith.constant 0 : i32
    %eq3A_130 = arith.cmpi eq, %jit3A_129, %eq3A : i32
    %jit3A_131 = arith.constant 1 : i32
    %select_n3A_132 = arith.select %eq3A_130, %jit3A_131, %jit3A_129 : i32
    %rem3A_133 = arith.remsi %add3A, %select_n3A_132 : i32
    %ne3A_134 = arith.constant 0 : i32
    %ne3A_135 = arith.cmpi ne, %rem3A_133, %ne3A_134 : i32
    %lt3A = arith.constant 0 : i32
    %lt3A_136 = arith.cmpi slt, %rem3A_133, %lt3A : i32
    %lt3A_137 = arith.constant 0 : i32
    %lt3A_138 = arith.cmpi slt, %select_n3A_132, %lt3A_137 : i32
    %ne3A_139 = arith.xori %lt3A_136, %lt3A_138 : i1
    %and3A_140 = arith.andi %ne3A_139, %ne3A_135 : i1
    %add3A_141 = arith.addi %rem3A_133, %select_n3A_132 : i32
    %select_n3A_142 = arith.select %and3A_140, %add3A_141, %rem3A_133 : i32
    %mul3A_143 = arith.constant 16 : i32
    %mul3A_144 = arith.muli %select_n3A_142, %mul3A_143 : i32
    "tpu.region"() ({
      %run_scoped3A = tpu.sem_alloc : memref<!tpu.dma_semaphore, #tpu.memory_space<semaphore_mem>>
      %dma_start3A_145 = tpu.memref_slice %arg5[%select_n3A, %mul3A_144] : memref<8x64xf32, #tpu.memory_space<hbm>> -> memref<1x16xf32, #tpu.memory_space<hbm>>
      %dma_start3A_146 = tpu.memref_squeeze %dma_start3A_145 : memref<1x16xf32, #tpu.memory_space<hbm>> -> memref<16xf32, #tpu.memory_space<hbm>>
      %dma_start3A_147 = tpu.memref_slice %arg5[%select_n3A, %mul3A_144] : memref<8x64xf32, #tpu.memory_space<hbm>> -> memref<1x16xf32, #tpu.memory_space<hbm>>
      %dma_start3A_148 = tpu.memref_squeeze %dma_start3A_147 : memref<1x16xf32, #tpu.memory_space<hbm>> -> memref<16xf32, #tpu.memory_space<hbm>>
      tpu.enqueue_dma source(%arg9 : memref<16xf32, #tpu.memory_space<vmem>>) target(%dma_start3A_148 : memref<16xf32, #tpu.memory_space<hbm>>) target_semaphore(%run_scoped3A : memref<!tpu.dma_semaphore, #tpu.memory_space<semaphore_mem>>)
      %dma_wait3A_149 = tpu.memref_slice %arg5[%select_n3A, %mul3A_144] : memref<8x64xf32, #tpu.memory_space<hbm>> -> memref<1x16xf32, #tpu.memory_space<hbm>>
      %dma_wait3A_150 = tpu.memref_squeeze %dma_wait3A_149 : memref<1x16xf32, #tpu.memory_space<hbm>> -> memref<16xf32, #tpu.memory_space<hbm>>
      %dma_wait3A_151 = tpu.memref_slice %arg5[%select_n3A, %mul3A_144] : memref<8x64xf32, #tpu.memory_space<hbm>> -> memref<1x16xf32, #tpu.memory_space<hbm>>
      %dma_wait3A_152 = tpu.memref_squeeze %dma_wait3A_151 : memref<1x16xf32, #tpu.memory_space<hbm>> -> memref<16xf32, #tpu.memory_space<hbm>>
      tpu.wait_dma2 semaphore(%run_scoped3A : memref<!tpu.dma_semaphore, #tpu.memory_space<semaphore_mem>>) src(%arg9 : memref<16xf32, #tpu.memory_space<vmem>>) dst(%dma_wait3A_152 : memref<16xf32, #tpu.memory_space<hbm>>)
      tpu.yield
    }) : () -> ()
    return
  }
}

</mosaic_0001>

<sc_bundles>
// kernel: kernel.3.cloned.1.call-start
scs
__scs_entry_jumppad:
0x0: {  	(pc) =	sbr.rel $0x88, $3  }
0x1: {  	(tag) =	ssettag $0x0;
	lr =	simm.s32 $0x1  }
0x2: {  	[smem:$0x3F9E] =	sst lr;
	_ =	strace $0xD0000000  }
0x3: {  	_ = 	snop  }
0x4: {  	_ = 	snop  }
0x5: {  	_ = 	snop  }
0x6: {  	_ = 	snop  }
0x7: {  	_ = 	snop  }
__scs_overlays_trampoline_lowered:
0x8: {  	[smem:$0x3FAD] =	sst s0  }
0x9: {  	[smem:$0x3FAE] =	sst s1  }
0xa: {  	[smem:$0x3FAF] =	sst s2  }
0xb: {  	[smem:$0x3FB0] =	sst s3  }
0xc: {  	[smem:$0x3FB1] =	sst s4  }
0xd: {  	[smem:$0x3FB2] =	sst s5  }
0xe: {  	[smem:$0x3FB3] =	sst s6  }
0xf: {  	[smem:$0x3FB4] =	sst s7  }
0x10: {  	[smem:$0x3FB5] =	sst s8  }
0x11: {  	[smem:$0x3FB6] =	sst s9;
	s0 =	simm.s32 @!p0 $0x0  }
0x12: {  	s1 =	sld [smem:$0x3F9C];
	s0 =	simm.s32 @p0 $0x1  }
0x13: {  	[smem:$0x3FB7] =	sst s0;
	s0 =	simm.s32 @!p1 $0x0  }
0x14: {  	s2 =	sld [smem:$0x3F9B];
	s0 =	simm.s32 @p1 $0x1  }
0x15: {  	[smem:$0x3FB8] =	sst s0;
	s0 =	simm.s32 @!p2 $0x0  }
0x16: {  	s3 =	sld [smem:$0x3FDB];
	s0 =	simm.s32 @p2 $0x1  }
0x17: {  	s4 =	simm.s32 $0x1BF5;
	[smem:$0x3FBA] =	sst s0  }
0x18: {  	s0 =	sld [smem:$0x3F9D];
	_ =	swait.ge [sflag:s4], $0x0  }
0x19: {  	s7 =	sld [smem:$0x3F9E]  }
0x1a: {  	s8 =	sadd.s32 $0xFFFFE003, lr  }
0x1b: {  	s9 =	sadd.s32 $0xFFFFFEF7, lr;
	s5 =	simm.s32 $0xFFFFFFFF;
	p2 =	slt.u32 s8, $0xFFFFF086  }
0x1c: {  	p1 =	slt.u32 s9, $0xF7A;
	s5 =	simm.s32 @!p2 $0x0  }
0x1d: {  	s5 =	simm.s32 @p1 $0x1;
	p0 =	seq.s32 s7, s2  }
0x1e: {  	s7 =	smul.u32 @!p0 $0xF7A, s2;
	p2 =	seq.s32 @!p0 s5, $0x0  }
0x1f: {  	s9 =	smul.u32 $0xF7A, s1;
	s8 =	simm.s32 @!p0 $0x1BF5;
	p2 =	por !p2, p0  }
0x20: {  	[sflag:s8] =	ssyncset.s32 @!p0 $0xFFFFF086;
	s6 =	sadd.s32 @!p0 s3, s7;
	s7 =	simm.s32 @!p0 $0x108  }
0x21: {  	s3 =	sadd.s32 s3, s9;
	s6 =	sadd.s32 @!p0 $0x88, s6;
	s7 =	simm.s32 @p2 $0x1082  }
0x22: {  	[simem:s7], [sflag:s8] =	dma.local @!p0 [hbm:s6], $0xF7A  }
0x23: {  	s9 =	sor.u32 $0xD0000000, s2;
	s6 =	simm.s32 $0x108;
	_ =	swait.ge @!p0 [sflag:s8], $0x0  }
0x24: {  	s3 =	sadd.s32 $0x88, s3;
	s6 =	simm.s32 @!p1 $0x1082;
	[sflag:s4] =	ssyncset.s32 $0xFFFFF086  }
0x25: {  	[simem:s6], [sflag:s4] =	dma.local [hbm:s3], $0xF7A  }
0x26: {  	[smem:$0x3F9E] =	sst s1;
	(tag) =	ssettag s2;
	_ =	strace s9  }
0x27: {  	s1 =	sld [smem:$0x3FAE]  }
0x28: {  	s2 =	sld [smem:$0x3FAF]  }
0x29: {  	s4 =	sld [smem:$0x3FB1]  }
0x2a: {  	p0 =	seq.s32 s5, $0x0;
	s5 =	sld [smem:$0x3FB2]  }
0x2b: {  	s6 =	sld [smem:$0x3FB3]  }
0x2c: {  	s7 =	sld [smem:$0x3FB4]  }
0x2d: {  	s3 =	simm.s32 $0x108;
	s8 =	sld [smem:$0x3FB5]  }
0x2e: {  	s3 =	simm.s32 @!p0 $0x1082;
	s9 =	sld [smem:$0x3FB6]  }
0x2f: {  	lr =	sadd.s32 s0, s3;
	s0 =	sld [smem:$0x3FAD]  }
0x30: {  	s3 =	sld [smem:$0x3FB0]  }
0x31: {  	[smem:$0x3FB9] =	sst s10  }
0x32: {  	s10 =	sld [smem:$0x3FB7];
	_ =	sdelay $0x3  }
0x33: {  	p0 =	seq.s32 s10, $0x1;
	s10 =	sld [smem:$0x3FB9];
	_ =	sdelay $0x3  }
0x34: {  	[smem:$0x3FB9] =	sst s10  }
0x35: {  	s10 =	sld [smem:$0x3FB8];
	_ =	sdelay $0x3  }
0x36: {  	p1 =	seq.s32 s10, $0x1;
	s10 =	sld [smem:$0x3FB9];
	_ =	sdelay $0x3  }
0x37: {  	[smem:$0x3FB9] =	sst s10  }
0x38: {  	s10 =	sld [smem:$0x3FBA]  }
0x39: {  	_ = 	snop;
	(pc) =	sbr.ind lr, $3  }
0x3a: {  	_ = 	snop  }
0x3b: {  	_ = 	snop  }
0x3c: {  	p2 =	seq.s32 s10, $0x1;
	s10 =	sld [smem:$0x3FB9]  }
0x3d: {  	_ =	shalt  }
0x3e: {  	_ =	shalt  }
0x3f: {  	_ =	shalt  }
0x40: {  	_ =	shalt  }
0x41: {  	_ =	shalt  }
0x42: {  	_ =	shalt  }
0x43: {  	_ =	shalt  }
0x44: {  	_ =	shalt  }
0x45: {  	_ =	shalt  }
0x46: {  	_ =	shalt  }
0x47: {  	_ =	shalt  }
0x48: {  	_ =	shalt  }
0x49: {  	_ =	shalt  }
0x4a: {  	_ =	shalt  }
0x4b: {  	_ =	shalt  }
0x4c: {  	_ =	shalt  }
0x4d: {  	_ =	shalt  }
0x4e: {  	_ =	shalt  }
0x4f: {  	_ =	shalt  }
0x50: {  	_ =	shalt  }
0x51: {  	_ =	shalt  }
0x52: {  	_ =	shalt  }
0x53: {  	_ =	shalt  }
0x54: {  	_ =	shalt  }
0x55: {  	_ =	shalt  }
0x56: {  	_ =	shalt  }
0x57: {  	_ =	shalt  }
0x58: {  	_ =	shalt  }
0x59: {  	_ =	shalt  }
0x5a: {  	_ =	shalt  }
0x5b: {  	_ =	shalt  }
0x5c: {  	_ =	shalt  }
0x5d: {  	_ =	shalt  }
0x5e: {  	_ =	shalt  }
0x5f: {  	_ =	shalt  }
0x60: {  	_ =	shalt  }
0x61: {  	_ =	shalt  }
0x62: {  	_ =	shalt  }
0x63: {  	_ =	shalt  }
0x64: {  	_ =	shalt  }
0x65: {  	_ =	shalt  }
0x66: {  	_ =	shalt  }
0x67: {  	_ =	shalt  }
0x68: {  	_ =	shalt  }
0x69: {  	_ =	shalt  }
0x6a: {  	_ =	shalt  }
0x6b: {  	_ =	shalt  }
0x6c: {  	_ =	shalt  }
0x6d: {  	_ =	shalt  }
0x6e: {  	_ =	shalt  }
0x6f: {  	_ =	shalt  }
0x70: {  	_ =	shalt  }
0x71: {  	_ =	shalt  }
0x72: {  	_ =	shalt  }
0x73: {  	_ =	shalt  }
0x74: {  	_ =	shalt  }
0x75: {  	_ =	shalt  }
0x76: {  	_ =	shalt  }
0x77: {  	_ =	shalt  }
0x78: {  	_ =	shalt  }
0x79: {  	_ =	shalt  }
0x7a: {  	_ =	shalt  }
0x7b: {  	_ =	shalt  }
0x7c: {  	_ =	shalt  }
0x7d: {  	_ =	shalt  }
0x7e: {  	_ =	shalt  }
0x7f: {  	_ =	shalt  }
0x80: {  	_ =	shalt  }
0x81: {  	_ =	shalt  }
0x82: {  	_ =	shalt  }
0x83: {  	_ =	shalt  }
0x84: {  	_ =	shalt  }
0x85: {  	_ =	shalt  }
0x86: {  	_ =	shalt  }
0x87: {  	_ =	shalt  }
.Lfunc_end0:
.L_simem_size_0:
called_computation_lowered:
.L_overlay_start_0:
0x88: {  	s2 =	sld [smem:$0x3FD9]  }
0x89: {  	s3 =	sld [smem:$0x3FFE];
	_ =	sdelay $0x1  }
0x8a: {  	s1 =	srdreg.scid  }
0x8b: {  	s0 =	sand.u32 $0x1, s1  }
0x8c: {  	s17 =	sshll.u32 s0, $0xA;
	s2 =	sadd.s32 s3, s2  }
0x8d: {  	s2 =	sadd.s32 s2, s17  }
0x8e: {  	[smem:$0x3FC5] =	sst s2  }
0x8f: {  	_ = 	snop  }
0x90: {  	s2 =	sld [smem:$0x3FC9]  }
0x91: {  	s18 =	sld [smem:$0x3FC8]  }
0x92: {  	s4 =	sld [smem:$0x3FC7];
	(tm) =	ssettm $0x1  }
0x93: {  	s5 =	sld [smem:$0x3FFB];
	_ =	sdelay $0x3  }
0x94: {  	_ =	strace s5  }
0x95: {  	s5 =	sld [smem:$0x3FFC];
	_ =	sdelay $0x3  }
0x96: {  	_ =	strace s5  }
0x97: {  	s5 =	sld [smem:$0x3FFD];
	_ =	sdelay $0x3  }
0x98: {  	_ =	strace s5  }
0x99: {  	_ =	strace $0x8FFFFFFF  }
0x9a: {  	s19 =	sld [smem:$0x3FDB];
	_ =	sdelay $0x1  }
0x9b: {  	s6 =	simm.s32 $_scs_section_size  }
0x9c: {  	s7 =	simm.s32 $_size__tile_overlayer_lowered;
	s8 =	simm.s32 $_tile_overlayer_lowered  }
0x9d: {  	s22 =	simm.s32 $0x1BFF;
	s21 =	sshll.u32 s8, $0x1;
	s5 =	sadd.s32 s6, s19  }
0x9e: {  	s9 =	simm.s32 $0x0;
	s20 =	sshll.u32 s7, $0x1;
	s7 =	sadd.s32 s21, s5  }
0x9f: {  	[timem:s9], [sflag:s22] =	dma.local [hbm:s7], s20  }
0xa0: {  	_ =	swait.ge [sflag:s22], s20  }
0xa1: {  	s6 =	ssub.s32 $0x0, s20;
	[sflag:s22] =	ssyncset.done $0x0  }
0xa2: {  	[sflag:s22] =	ssyncadd.s32 s6;
	_ =	sdelay $0x1  }
0xa3: {  	s23 =	simm.s32 $0x1B8B  }
0xa4: {  	_ =	swait.ge [sflag:s23], $0x1  }
0xa5: {  	[sflag:s23] =	ssyncset.done $0x0  }
0xa6: {  	s25 =	simm.s32 $0x1B8E;
	s24 =	sld [smem:$0x3FFE];
	[sflag:s23] =	ssyncadd.s32 $0xFFFFFFFF  }
0xa7: {  	s26 =	simm.s32 $execute0_lowered;
	[smem:$0x3FD2] =	sst s25  }
0xa8: {  	s7 =	sshll.u32 s26, $0x1;
	_ =	strace $0x80000046;
	[dreg:$0x1] =	wrdreg $0xFFFFFFFF  }
0xa9: {  	s28 =	simm.s32 $_size_execute0_lowered;
	s5 =	sadd.s32 s5, s7;
	[dreg:$0x0] =	wrdreg $0x0  }
0xaa: {  	s7 =	sshll.u32 s28, $0x1;
	[dreg:$0x2] =	wrdreg s5  }
0xab: {  	[dreg:$0x3] =	wrdreg s7  }
0xac: {  	[dreg:$0x4] =	wrdreg $0xC0  }
0xad: {  	_ =	task [dreg:s9], $0x5FFFF  }
0xae: {  	[dreg:$0x1] =	wrdreg $0xFFFFFFFF  }
0xaf: {  	[dreg:$0x0] =	wrdreg $0x60  }
0xb0: {  	[dreg:$0x2] =	wrdreg s2  }
0xb1: {  	[dreg:$0x3] =	wrdreg s18  }
0xb2: {  	[dreg:$0x4] =	wrdreg s4  }
0xb3: {  	[dreg:$0x5] =	wrdreg s24  }
0xb4: {  	[dreg:$0x6] =	wrdreg $0x9  }
0xb5: {  	_ =	task.clear_ibuf [dreg:s9], $0x7FFFF;
	_ =	strace $0x90000046  }
0xb6: {  	s29 =	simm.s32 $0x9;
	_ =	strace $0x80000048  }
0xb7: {  	_ =	swait.ge [sflag:s29], $0x1  }
0xb8: {  	[sflag:s29] =	ssyncadd.s32 $0xFFFFFFFF  }
0xb9: {  	_ =	strace $0x90000048  }
0xba: {  	_ =	sfence  }
0xbb: {  	s30 =	sld [smem:$0x0];
	_ =	sdelay $0x2  }
0xbc: {  	s31 =	sshll.u32 s1, $0xD;
	s1 =	sshrl.u32 s1, $0x2  }
0xbd: {  	s3 =	sand.u32 $0x4000, s31;
	s1 =	sadd.s32 s1, s30  }
0xbe: {  	s0 =	sor.u32 s3, s0;
	s1 =	sshll.u32 s1, $0x11  }
0xbf: {  	s0 =	sor.u32 s1, s0  }
0xc0: {  	s0 =	sadd.s32 $0x8F2B, s0  }
0xc1: {  	[sflag:s0] =	ssyncadd.remote.s32 $0x1  }
0xc2: {  	_ =	sfence.sel $0xFFFF  }
0xc3: {  	[dreg:$0x0] =	wrdreg $0xFFFFFFFF;
	(pc) =	sbr.abs _section_cstart, $3  }
0xc4: {  	[dreg:$0x1] =	wrdreg $0xFFFFFFFF  }
0xc5: {  	_ =	task.clear_ibuf [dreg:s9], $0x2FFFF;
	_ =	strace $0x9FFFFFFF  }
0xc6: {  	(tm) =	ssettm $0x7FFFFFFF  }
0xc7: {  	_ =	shalt  }
tec
execute0_lowered:
.L_overlay_start_1:
0x0: {  	(tag) =	ssettag $0x1  }
0x1: {  	s4 =	rddreg [dreg:$0x0]  }
0x2: {  	s6 =	rddreg [dreg:$0x1]  }
0x3: {  	s2 =	rddreg [dreg:$0x2]  }
0x4: {  	s7 =	rddreg [dreg:$0x3]  }
0x5: {  	s0 =	rddreg [dreg:$0x4]  }
0x6: {  	s5 =	srdreg.scid;
	s1 =	stileid.u32  }
0x7: {  	s3 =	simm.s32 $0x0;
	s12 =	simm.s32 $0x40;
	s13 =	simm.s32 $0x80  }
0x8: {  	s14 =	simm.s32 $0x2080;
	s15 =	simm.s32 $0x3;
	s16 =	simm.s32 $0x1  }
0x9: {  	s17 =	simm.s32 $0x4;
	s18 =	simm.s32 $0x2;
	s19 =	simm.s32 $0x8080  }
0xa: {  	s20 =	simm.s32 $0x0;
	s5 =	sand.u32 $0x1, s5;
	s8 =	sshll.u32 s1, $0x1  }
0xb: {  	[smem:$0x7FF] =	sst s3;
	s31 =	sshll.u32 s1, $0x3;
	s9 =	ssub.s32 $0x2, s5  }
0xc: {  	s8 =	sor.u32 s5, s8;
	_ =	strace $0x80000047;
	s30 =	sshrl.u32 s9, $0x1  }
0xd: {  	s10 =	sshll.u32 s8, $0xB;
	s11 =	sshll.u32 s8, $0x1;
	s8 =	sshll.u32 s8, $0x4  }
0xe: {  	s9 =	ssub.s32 s9, s30;
	s4 =	sadd.s32 s4, s10;
	s10 =	sand.u32 $0x70, s31  }
0xf: {  	s11 =	sand.u32 $0x6, s11;
	s6 =	sadd.s32 s6, s8;
	s5 =	sadd.s32 $0x400, s4  }
0x10: {  	s7 =	sadd.s32 s7, s10;
	s8 =	smax.u32 s9, $0x1;
	s9 =	simm.s32 $0x4080  }
0x11: {  	s10 =	simm.s32 $0x6080;
	s7 =	sadd.s32 s11, s7;
	s11 =	simm.s32 $0x5  }
.LBB2_1:
0x12: {  	[tilespmem:s9], [sflag:$0x1] =	stream.linear.gather [hbm4b:s4+s3], $0x2000, $0x38;
	[tilespmem:$0x8100] =	vst v63  }
0x13: {  	_ = 	snop  }
0x14: {  	[tilespmem:s10], [sflag:$0x2] =	stream.linear.gather [hbm4b:s5+s3], $0x2000, $0x38;
	[tilespmem:$0x8100] =	vst v63  }
0x15: {  	_ = 	snop  }
0x16: {  	[tilespmem:s3], [sflag:$0x5] =	stream.linear.gather [hbm4b:s6+s3], $0x80, $0x38;
	[tilespmem:$0x8100] =	vst v63  }
0x17: {  	_ =	swait.ge [sflag:s11], $0x80  }
0x18: {  	[sflag:s11] =	ssyncset.done $0x0  }
0x19: {  	[sflag:s11] =	ssyncadd.s32 $0xFFFFFF80  }
0x1a: {  	[tilespmem:s13], [sflag:$0x3] =	stream.indirect.gather [hbm4b:s2+s12], $0x80, s3, s12, $0xb8;
	[tilespmem:$0x8100] =	vst v63  }
0x1b: {  	_ = 	snop  }
0x1c: {  	[tilespmem:s14], [sflag:$0x4] =	stream.indirect.gather [hbm4b:s2+s12], $0x80, s12, s12, $0xb8;
	[tilespmem:$0x8100] =	vst v63  }
0x1d: {  	_ =	swait.ge [sflag:s15], $0x2000  }
0x1e: {  	[sflag:s15] =	ssyncset.done $0x0  }
0x1f: {  	[sflag:s15] =	ssyncadd.s32 $0xFFFFE000  }
0x20: {  	_ =	swait.ge [sflag:s16], $0x2000  }
0x21: {  	[sflag:s16] =	ssyncset.done $0x0  }
0x22: {  	s22 =	simm.s32 $0x0;
	[sflag:s16] =	ssyncadd.s32 $0xFFFFE000  }
0x23: {  	v0 =	vld [tilespmem:s22+$0x40F0]  }
0x24: {  	v1 =	vld [tilespmem:s22+$0xF0]  }
0x25: {  	v2 =	vld [tilespmem:s22+$0x4080]  }
0x26: {  	v3 =	vld [tilespmem:s22+$0x80]  }
0x27: {  	v4 =	vld [tilespmem:s22+$0x4090]  }
0x28: {  	v5 =	vld [tilespmem:s22+$0x90]  }
0x29: {  	v6 =	vld [tilespmem:s22+$0x40A0]  }
0x2a: {  	v7 =	vld [tilespmem:s22+$0xA0]  }
0x2b: {  	v9 =	vld [tilespmem:s22+$0x40B0]  }
0x2c: {  	v10 =	vld [tilespmem:s22+$0xB0];
	_ =	sdelay $0x2  }
0x2d: {  	v14 =	vld [tilespmem:s22+$0x40C0];
	v0 =	vsub.f32 v0, v1;
	v1 =	vsub.f32 v2, v3  }
0x2e: {  	v2 =	vsub.f32 v4, v5;
	v5 =	vld [tilespmem:s22+$0xC0];
	v3 =	vsub.f32 v6, v7  }
0x2f: {  	v8 =	vld [tilespmem:s22+$0x40D0];
	v4 =	vimm.f32 $0.0e+00;
	v6 =	vsub.f32 v9, v10;
	v0 =	vmul.f32 v0, v0  }
0x30: {  	v11 =	vld [tilespmem:s22+$0xD0];
	v7 =	vimm.f32 $0.0e+00;
	v1 =	vmul.f32 v1, v1;
	v2 =	vmul.f32 v2, v2  }
0x31: {  	v12 =	vld [tilespmem:s22+$0xE0];
	v3 =	vmul.f32 v3, v3;
	v13 =	vmul.f32 v6, v6;
	v0 =	vadd.f32 v0, v4  }
0x32: {  	s21 =	simm.s32 $0x80;
	v9 =	vld [tilespmem:s22+$0x40E0];
	v6 =	vimm.f32 $0.0e+00;
	v1 =	vadd.f32 v1, v4;
	v2 =	vadd.f32 v2, v4  }
0x33: {  	v10 =	vld [tilespmem:s21+$0x40F0];
	s22 =	simm.s32 $0x400;
	v3 =	vadd.f32 v3, v4;
	v14 =	vsub.f32 v14, v5;
	v5 =	vimm.f32 $0.0e+00  }
.LBB2_2:
0x34: {  	p0 =	sne.s32 s22, $0x7E00;
	v15 =	vld [tilespmem:s21+$0xF0]  }
0x35: {  	v16 =	vld [tilespmem:s21+$0x4080];
	v4 =	vadd.f32 v13, v4;
	v13 =	vmul.f32 v14, v14;
	v8 =	vsub.f32 v8, v11  }
0x36: {  	v11 =	vld [tilespmem:s21+$0x80]  }
0x37: {  	v14 =	vld [tilespmem:s21+$0x4090];
	v7 =	vadd.f32 v13, v7;
	v8 =	vmul.f32 v8, v8;
	v9 =	vsub.f32 v9, v12  }
0x38: {  	v12 =	vld [tilespmem:s21+$0x90]  }
0x39: {  	v13 =	vld [tilespmem:s21+$0x40A0];
	v10 =	vsub.f32 v10, v15;
	v6 =	vadd.f32 v8, v6;
	v8 =	vmul.f32 v9, v9  }
0x3a: {  	v9 =	vld [tilespmem:s21+$0xA0]  }
0x3b: {  	v11 =	vsub.f32 v16, v11;
	v15 =	vld [tilespmem:s21+$0x40B0];
	v10 =	vmul.f32 v10, v10;
	v5 =	vadd.f32 v8, v5  }
0x3c: {  	v16 =	vld [tilespmem:s21+$0xB0]  }
0x3d: {  	v8 =	vmul.f32 v11, v11;
	v11 =	vsub.f32 v14, v12;
	v14 =	vld [tilespmem:s21+$0x40C0];
	v0 =	vadd.f32 v10, v0  }
0x3e: {  	v17 =	vld [tilespmem:s21+$0xC0]  }
.Ltmp0:
0x3f: {  	v1 =	vadd.f32 v8, v1;
	v10 =	vmul.f32 v11, v11;
	v9 =	vsub.f32 v13, v9;
	v8 =	vld [tilespmem:s21+$0x40D0];
	(pc) =	sbr.rel @p0 .LBB2_2-.Ltmp0, $4  }
0x40: {  	v11 =	vld [tilespmem:s21+$0xD0]  }
0x41: {  	v2 =	vadd.f32 v10, v2;
	v13 =	vmul.f32 v9, v9;
	v15 =	vsub.f32 v15, v16;
	v9 =	vld [tilespmem:s21+$0x40E0]  }
0x42: {  	v12 =	vld [tilespmem:s21+$0xE0];
	s21 =	sshra.s32 s22, $0x2  }
0x43: {  	s22 =	sadd.s32 $0x200, s22;
	v10 =	vld [tilespmem:s21+$0x40F0];
	v3 =	vadd.f32 v13, v3;
	v13 =	vmul.f32 v15, v15;
	v14 =	vsub.f32 v14, v17  }
0x44: {  	v15 =	vld [tilespmem:s21+$0xF0]  }
0x45: {  	v16 =	vld [tilespmem:s21+$0x4080]  }
0x46: {  	v17 =	vld [tilespmem:s21+$0x80]  }
0x47: {  	v18 =	vld [tilespmem:s21+$0x4090]  }
0x48: {  	v19 =	vld [tilespmem:s21+$0x90]  }
0x49: {  	v20 =	vld [tilespmem:s21+$0x40A0]  }
0x4a: {  	v21 =	vld [tilespmem:s21+$0xA0]  }
0x4b: {  	v22 =	vld [tilespmem:s21+$0x40B0]  }
0x4c: {  	v23 =	vld [tilespmem:s21+$0xB0]  }
0x4d: {  	v24 =	vld [tilespmem:s21+$0x40C0]  }
0x4e: {  	v25 =	vld [tilespmem:s21+$0xC0]  }
0x4f: {  	v26 =	vld [tilespmem:s21+$0x40D0]  }
0x50: {  	v27 =	vld [tilespmem:s21+$0xD0]  }
0x51: {  	v28 =	vld [tilespmem:s21+$0x40E0]  }
0x52: {  	v29 =	vld [tilespmem:s21+$0xE0];
	_ =	swait.ge [sflag:s17], $0x2000  }
0x53: {  	[sflag:s17] =	ssyncset.done $0x0  }
0x54: {  	[sflag:s17] =	ssyncadd.s32 $0xFFFFE000  }
0x55: {  	_ =	swait.ge [sflag:s18], $0x2000  }
0x56: {  	v8 =	vsub.f32 v8, v11;
	[sflag:s18] =	ssyncset.done $0x0  }
0x57: {  	s22 =	simm.s32 $0x0;
	v11 =	vmul.f32 v14, v14;
	[sflag:s18] =	ssyncadd.s32 $0xFFFFE000  }
0x58: {  	v8 =	vmul.f32 v8, v8;
	v9 =	vsub.f32 v9, v12;
	v12 =	vld [tilespmem:s22+$0x60F0]  }
0x59: {  	v7 =	vadd.f32 v11, v7;
	v11 =	vld [tilespmem:s22+$0x20F0]  }
0x5a: {  	v6 =	vadd.f32 v8, v6;
	v8 =	vmul.f32 v9, v9;
	v9 =	vld [tilespmem:s22+$0x6080]  }
0x5b: {  	v10 =	vsub.f32 v10, v15;
	v15 =	vld [tilespmem:s22+$0x2080]  }
0x5c: {  	v4 =	vadd.f32 v13, v4;
	v53 =	vld [tilespmem:s22+$0x6090]  }
0x5d: {  	v13 =	vsub.f32 v16, v17;
	v14 =	vsub.f32 v18, v19;
	v55 =	vld [tilespmem:s22+$0x2090]  }
0x5e: {  	v57 =	vld [tilespmem:s22+$0x20A0];
	v5 =	vadd.f32 v8, v5;
	v8 =	vmul.f32 v10, v10;
	v10 =	vsub.f32 v20, v21  }
0x5f: {  	v54 =	vsub.f32 v22, v23;
	v59 =	vld [tilespmem:s22+$0x60B0];
	v13 =	vmul.f32 v13, v13;
	v14 =	vmul.f32 v14, v14  }
0x60: {  	v60 =	vld [tilespmem:s22+$0x20B0];
	v56 =	vadd.f32 v8, v0;
	v0 =	vmul.f32 v10, v10;
	v8 =	vsub.f32 v24, v25  }
0x61: {  	v10 =	vld [tilespmem:s22+$0x60A0];
	v13 =	vadd.f32 v13, v1;
	v14 =	vadd.f32 v14, v2;
	v1 =	vmul.f32 v54, v54  }
0x62: {  	v58 =	vadd.f32 v0, v3;
	v2 =	vmul.f32 v8, v8;
	v3 =	vsub.f32 v26, v27  }
0x63: {  	v0 =	vadd.f32 v1, v4;
	v4 =	vsub.f32 v28, v29  }
0x64: {  	v61 =	vld [tilespmem:s22+$0x60C0];
	v1 =	vadd.f32 v2, v7;
	v2 =	vmul.f32 v3, v3;
	v3 =	vsub.f32 v12, v11  }
0x65: {  	v7 =	vsub.f32 v9, v15;
	v4 =	vmul.f32 v4, v4;
	v9 =	vsub.f32 v53, v55;
	v15 =	vld [tilespmem:s22+$0x20C0]  }
0x66: {  	v8 =	vld [tilespmem:s22+$0x60D0];
	v63 =	vsub.f32 v59, v60;
	v10 =	vsub.f32 v10, v57;
	v3 =	vmul.f32 v3, v3  }
0x67: {  	v5 =	vadd.f32 v4, v5;
	v4 =	vmul.f32 v7, v7;
	v11 =	vmul.f32 v9, v9;
	v9 =	vld [tilespmem:s22+$0x20D0]  }
0x68: {  	v12 =	vld [tilespmem:s22+$0x20E0];
	v2 =	vadd.f32 v2, v6;
	v62 =	vmul.f32 v10, v10;
	v6 =	vadd.f32 v3, v56  }
0x69: {  	s21 =	simm.s32 $0x80;
	v10 =	vld [tilespmem:s22+$0x60E0];
	v7 =	vadd.f32 v4, v13;
	v3 =	vadd.f32 v11, v14  }
0x6a: {  	s22 =	simm.s32 $0x400;
	v11 =	vld [tilespmem:s21+$0x60F0];
	v13 =	vmul.f32 v63, v63;
	v4 =	vadd.f32 v62, v58;
	v14 =	vsub.f32 v61, v15  }
.LBB2_4:
0x6b: {  	p0 =	sne.s32 s22, $0x7E00;
	v15 =	vld [tilespmem:s21+$0x20F0]  }
0x6c: {  	v16 =	vld [tilespmem:s21+$0x6080];
	v0 =	vadd.f32 v13, v0;
	v13 =	vmul.f32 v14, v14;
	v8 =	vsub.f32 v8, v9  }
0x6d: {  	v9 =	vld [tilespmem:s21+$0x2080]  }
0x6e: {  	v14 =	vld [tilespmem:s21+$0x6090];
	v1 =	vadd.f32 v13, v1;
	v8 =	vmul.f32 v8, v8;
	v10 =	vsub.f32 v10, v12  }
0x6f: {  	v12 =	vld [tilespmem:s21+$0x2090]  }
0x70: {  	v13 =	vld [tilespmem:s21+$0x60A0];
	v11 =	vsub.f32 v11, v15;
	v2 =	vadd.f32 v8, v2;
	v8 =	vmul.f32 v10, v10  }
0x71: {  	v10 =	vld [tilespmem:s21+$0x20A0]  }
0x72: {  	v9 =	vsub.f32 v16, v9;
	v15 =	vld [tilespmem:s21+$0x60B0];
	v11 =	vmul.f32 v11, v11;
	v5 =	vadd.f32 v8, v5  }
0x73: {  	v16 =	vld [tilespmem:s21+$0x20B0]  }
0x74: {  	v8 =	vmul.f32 v9, v9;
	v9 =	vsub.f32 v14, v12;
	v14 =	vld [tilespmem:s21+$0x60C0];
	v6 =	vadd.f32 v11, v6  }
0x75: {  	v17 =	vld [tilespmem:s21+$0x20C0]  }
.Ltmp1:
0x76: {  	v7 =	vadd.f32 v8, v7;
	v11 =	vmul.f32 v9, v9;
	v10 =	vsub.f32 v13, v10;
	v8 =	vld [tilespmem:s21+$0x60D0];
	(pc) =	sbr.rel @p0 .LBB2_4-.Ltmp1, $4  }
0x77: {  	v9 =	vld [tilespmem:s21+$0x20D0]  }
0x78: {  	v3 =	vadd.f32 v11, v3;
	v13 =	vmul.f32 v10, v10;
	v15 =	vsub.f32 v15, v16;
	v10 =	vld [tilespmem:s21+$0x60E0]  }
0x79: {  	v12 =	vld [tilespmem:s21+$0x20E0];
	s21 =	sshra.s32 s22, $0x2  }
0x7a: {  	s22 =	sadd.s32 $0x200, s22;
	v11 =	vld [tilespmem:s21+$0x60F0];
	v4 =	vadd.f32 v13, v4;
	v13 =	vmul.f32 v15, v15;
	v14 =	vsub.f32 v14, v17  }
0x7b: {  	v15 =	vld [tilespmem:s21+$0x20F0]  }
0x7c: {  	v16 =	vld [tilespmem:s21+$0x6080]  }
0x7d: {  	v17 =	vld [tilespmem:s21+$0x2080]  }
0x7e: {  	v18 =	vld [tilespmem:s21+$0x6090]  }
0x7f: {  	v19 =	vld [tilespmem:s21+$0x2090]  }
0x80: {  	v20 =	vld [tilespmem:s21+$0x60A0]  }
0x81: {  	v21 =	vld [tilespmem:s21+$0x20A0]  }
0x82: {  	v22 =	vld [tilespmem:s21+$0x60B0]  }
0x83: {  	v23 =	vld [tilespmem:s21+$0x20B0]  }
0x84: {  	v24 =	vld [tilespmem:s21+$0x60C0]  }
0x85: {  	v25 =	vld [tilespmem:s21+$0x20C0];
	v8 =	vsub.f32 v8, v9  }
0x86: {  	v48 =	vld [tilespmem:s21+$0x60D0];
	v49 =	vmul.f32 v14, v14  }
0x87: {  	v50 =	vld [tilespmem:s21+$0x20D0];
	v0 =	vadd.f32 v13, v0;
	v47 =	vsub.f32 v10, v12;
	v8 =	vmul.f32 v8, v8  }
0x88: {  	v52 =	vld [tilespmem:s21+$0x60E0];
	v1 =	vadd.f32 v49, v1;
	v11 =	vsub.f32 v11, v15  }
0x89: {  	v53 =	vld [tilespmem:s21+$0x20E0];
	v51 =	vsub.f32 v16, v17;
	v2 =	vadd.f32 v8, v2  }
0x8a: {  	v55 =	vsub.f32 v18, v19;
	v56 =	vsub.f32 v20, v21  }
0x8b: {  	v9 =	vmul.f32 v47, v47;
	v57 =	vsub.f32 v22, v23;
	v58 =	vsub.f32 v24, v25  }
0x8c: {  	v10 =	vsub.f32 v48, v50;
	v11 =	vmul.f32 v11, v11;
	v54 =	vmul.f32 v51, v51  }
0x8d: {  	v5 =	vadd.f32 v9, v5;
	v9 =	vmul.f32 v55, v55;
	v8 =	vmul.f32 v56, v56  }
0x8e: {  	v12 =	vsub.f32 v52, v53;
	v59 =	vmul.f32 v57, v57;
	v60 =	vmul.f32 v58, v58  }
0x8f: {  	v61 =	vmul.f32 v10, v10;
	v6 =	vadd.f32 v11, v6;
	v7 =	vadd.f32 v54, v7  }
0x90: {  	v62 =	vmul.f32 v12, v12;
	v3 =	vadd.f32 v9, v3;
	v4 =	vadd.f32 v8, v4  }
0x91: {  	v0 =	vadd.f32 v59, v0;
	v1 =	vadd.f32 v60, v1  }
0x92: {  	v2 =	vadd.f32 v61, v2;
	v5 =	vadd.f32 v62, v5  }
0x93: {  	v3 =	vadd.f32 v3, v7;
	v0 =	vadd.f32 v0, v4  }
0x94: {  	v1 =	vadd.f32 v2, v1;
	v63 =	vadd.f32 v6, v5;
	_ =	sdelay $0x1  }
0x95: {  	v0 =	vadd.f32 v0, v3;
	v1 =	vadd.f32 v63, v1;
	_ =	sdelay $0x1  }
0x96: {  	s20 =	sadd.s32 $0x1, s20;
	v0 =	vadd.f32 v1, v0  }
0x97: {  	p0 =	sne.s32 s20, s8  }
.Ltmp2:
0x98: {  	[tilespmem:$0x8080] =	vst v0;
	(pc) =	sbr.rel @p0 .LBB2_1-.Ltmp2, $4  }
0x99: {  	[hbm4b:s7+s3] =	stream.linear.scatter [tilespmem:s19], [sflag:$0x5], $0x10, $0x38;
	[tilespmem:$0x8100] =	vst v63  }
0x9a: {  	_ =	swait.ge [sflag:s11], $0x10  }
0x9b: {  	[sflag:s11] =	ssyncset.done $0x0  }
0x9c: {  	[sflag:s11] =	ssyncadd.s32 $0xFFFFFFF0  }
0x9d: {  	_ =	sfence.sel $0x180000  }
0x9e: {  	[bflag:$0x0] =	sbarrier.arrive $0xFFFF  }
0x9f: {  	p0 =	sne.s32 s1, $0x0;
	_ =	strace $0x90000047  }
0xa0: {  	s0 =	sadd.s32 @!p0 $0x100000, s0;
	[bflag:$0x2] =	sbarrier.arrive $0xFFFF  }
0xa1: {  	[sflag:s0] =	ssyncadd.tile.s32 @!p0 $0x1;
	_ =	shalt  }
.Lfunc_end2:
_tile_overlayer_lowered:
.L_overlay_start_2:
0xa2: {  	(tag) =	ssettag $0x2  }
0xa3: {  	s0 =	rddreg [dreg:$0x0];
	s2 =	stileid.u32  }
0xa4: {  	s1 =	rddreg [dreg:$0x1];
	p0 =	sne.s32 s2, $0x0  }
0xa5: {  	s3 =	rddreg [dreg:$0x2];
	[bflag:$0x3] =	sbarrier.arrive $0xFFFF;
	s2 =	simm.s32 @!p0 $0x1C05  }
0xa6: {  	[timem:s3], [sflag:s2] =	dma.local @!p0 [hbm:s0], s1  }
0xa7: {  	s0 =	simm.s32 @!p0 $0x5  }
0xa8: {  	_ =	swait.ge @!p0 [sflag:s0], s1  }
0xa9: {  	s1 =	ssub.s32 @!p0 $0x0, s1;
	[sflag:s0] =	ssyncset.done @!p0 $0x0  }
0xaa: {  	[sflag:s0] =	ssyncadd.s32 @!p0 s1  }
0xab: {  	[bflag:$0x3] =	sbarrier.arrive $0xFFFF  }
0xac: {  	_ =	shalt  }

</sc_bundles>
